<compile_context>
chip_gen: v7x
topology: tpu7x:2x2x1
jax: 0.10.2.dev20260603
libtpu: 0.0.44.dev20260713+nightly
codegen_flags: <defaults>
</compile_context>

<pallas_src>
import functools

import jax
import jax.numpy as jnp
from jax import lax
from jax.experimental import pallas as pl
from jax.experimental.pallas import tpu as pltpu
from jax.experimental.pallas import tpu_sc as plsc

_NUM_EXPERTS = 64
_TOP_K = 8
_HIDDEN = 4096
_TOKENS = 16384
_TB = 1024

_NW = 32
_TPW = _TOKENS // _NW
_LANES = 16


def _gate_body(x_ref, w_ref, logits_ref):
    x = x_ref[...]
    w = w_ref[...]
    logits_ref[...] = jax.lax.dot_general(
        x, w, (((1,), (1,)), ((), ())),
        preferred_element_type=jnp.float32)


def _gate_matmul(hidden_states, gate_w):
    return pl.pallas_call(
        _gate_body,
        grid=(_TOKENS // _TB,),
        in_specs=[
            pl.BlockSpec((_TB, _HIDDEN), lambda i: (i, 0)),
            pl.BlockSpec((_NUM_EXPERTS, _HIDDEN), lambda i: (0, 0)),
        ],
        out_specs=pl.BlockSpec((_TB, _NUM_EXPERTS), lambda i: (i, 0)),
        out_shape=jax.ShapeDtypeStruct((_TOKENS, _NUM_EXPERTS), jnp.float32),
        compiler_params=pltpu.CompilerParams(
            dimension_semantics=("parallel",),
        ),
    )(hidden_states, gate_w)


def _merge_desc(a, ai, b, bi):
    rb = lax.rev(b, (0,))
    rbi = lax.rev(bi, (0,))
    take = rb > a
    hv = jnp.where(take, rb, a)
    hi = jnp.where(take, rbi, ai)
    return plsc.sort_key_val(hv, hi, descending=True)


@functools.partial(
    pl.kernel,
    out_type=(
        jax.ShapeDtypeStruct((_TOKENS * _TOP_K,), jnp.float32),
        jax.ShapeDtypeStruct((_TOKENS * _TOP_K,), jnp.int32),
    ),
    mesh=plsc.VectorSubcoreMesh(core_axis_name="c", subcore_axis_name="s"),
    scratch_types=[
        pltpu.VMEM((_TPW * _NUM_EXPERTS,), jnp.float32),
        pltpu.VMEM((_TPW * _TOP_K,), jnp.float32),
        pltpu.VMEM((_TPW * _TOP_K,), jnp.int32),
    ],
    compiler_params=pltpu.CompilerParams(needs_layout_passes=False),
)
def _sc_router(logits_hbm, w_out, i_out, log_v, w_v, i_v):
    wid = lax.axis_index("s") * 2 + lax.axis_index("c")
    pltpu.sync_copy(
        logits_hbm.at[pl.ds(wid * (_TPW * _NUM_EXPERTS), _TPW * _NUM_EXPERTS)],
        log_v)

    lane = lax.broadcasted_iota(jnp.int32, (_LANES,), 0)
    mask8 = lane < _TOP_K

    def body(t, carry):
        base = t * _NUM_EXPERTS
        svs = []
        for c in range(4):
            vals = log_v[pl.ds(base + c * _LANES, _LANES)]
            idx = lane + jnp.int32(c * _LANES)
            svs.append(plsc.sort_key_val(vals, idx, descending=True))
        m01 = _merge_desc(*svs[0], *svs[1])
        m23 = _merge_desc(*svs[2], *svs[3])
        fv, fi = _merge_desc(*m01, *m23)

        m = jnp.max(fv, axis=0)
        e = jnp.where(mask8, jnp.exp(fv - m), 0.0)
        s = jnp.sum(e, axis=0)
        wts = e / s

        oidx = t * _TOP_K + jnp.where(mask8, lane, 0)
        plsc.store_scatter(w_v, [oidx], wts, mask=mask8)
        plsc.store_scatter(i_v, [oidx], jnp.where(mask8, fi, 0), mask=mask8)
        return carry

    lax.fori_loop(0, _TPW, body, 0)

    pltpu.sync_copy(w_v, w_out.at[pl.ds(wid * (_TPW * _TOP_K), _TPW * _TOP_K)])
    pltpu.sync_copy(i_v, i_out.at[pl.ds(wid * (_TPW * _TOP_K), _TPW * _TOP_K)])


def kernel(hidden_states, gate_w):
    logits = _gate_matmul(hidden_states, gate_w)
    wflat, iflat = _sc_router(logits.reshape(-1))
    return (wflat.reshape(_TOKENS, _TOP_K),
            iflat.reshape(_TOKENS, _TOP_K),
            logits)

# --- scband reference (transcript-rebuilt; emitter-appended) ---
"""Pipeline reference for scband-ol-mo-erouter-68564857913948 (READ-ONLY COPY).

The authoritative reference and input builder live on the scoring server;
editing this copy changes nothing except your own understanding.
"""

import jax, jax.numpy as jnp
import numpy as np

NUM_EXPERTS = 64
TOP_K = 8
HIDDEN = 4096
TOKENS = 16384


def setup_inputs(seed: int = 0) -> dict:
    key = jax.random.key(seed)
    k1, k2 = jax.random.split(key)
    hidden_states = jax.random.normal(k1, (TOKENS, HIDDEN), dtype=jnp.float32)
    # nn.Linear(hidden_size, num_experts, bias=False) -> weight shape (num_experts, hidden_size)
    gate_w = jax.random.normal(k2, (NUM_EXPERTS, HIDDEN), dtype=jnp.float32) * (1.0 / np.sqrt(HIDDEN))
    return {"hidden_states": hidden_states, "gate_w": gate_w}


def reference(hidden_states, gate_w):
    # router_logits = self.gate(hidden_states)
    router_logits = hidden_states @ gate_w.T  # (tokens, num_experts)
    # top_k_logits, selected_experts = torch.topk(router_logits, top_k, dim=-1)
    top_k_logits, selected_experts = jax.lax.top_k(router_logits, TOP_K)
    # routing_weights = softmax(top_k_logits, dim=-1)
    routing_weights = jax.nn.softmax(top_k_logits, axis=-1)
    return routing_weights, selected_experts, router_logits

if __name__ == "__main__":
    import jax
    _d = setup_inputs()
    print(jax.jit(kernel)(*tuple(_d.values())))

</pallas_src>

<mosaic_0001>
#map = affine_map<(d0, d1) -> (0)>
module attributes {stable_mosaic.version = 14 : i64} {
  func.func @_sc_router(%arg0: i32, %arg1: i32, %arg2: memref<1048576xf32, #tpu.memory_space<hbm>>, %arg3: memref<131072xf32, #tpu.memory_space<hbm>>, %arg4: memref<131072xi32, #tpu.memory_space<hbm>>, %arg5: memref<32768xf32, #tpu.memory_space<vmem>>, %arg6: memref<4096xf32, #tpu.memory_space<vmem>>, %arg7: memref<4096xi32, #tpu.memory_space<vmem>>) attributes {dimension_semantics = [#tpu.dimension_semantics<core_parallel>, #tpu.dimension_semantics<subcore_parallel>], iteration_bounds = array<i64: 2, 16>, scalar_prefetch = 0 : i64, scratch_operands = 3 : i64, tpu.core_type = #tpu.core_type<sc_vector_subcore>, window_params = [{transform_indices = #map}, {transform_indices = #map}, {transform_indices = #map}]} {
    %mul3A = arith.constant 2 : i32
    %mul3A_0 = arith.muli %arg1, %mul3A : i32
    %add3A = arith.addi %mul3A_0, %arg0 : i32
    %mul3A_1 = arith.constant 32768 : i32
    %mul3A_2 = arith.muli %add3A, %mul3A_1 : i32
    "tpu.region"() ({
      %run_scoped3A = tpu.sem_alloc : memref<!tpu.dma_semaphore, #tpu.memory_space<semaphore_mem>>
      %dma_start3A = tpu.memref_slice %arg2[%mul3A_2] : memref<1048576xf32, #tpu.memory_space<hbm>> -> memref<32768xf32, #tpu.memory_space<hbm>>
      %dma_start3A_14 = tpu.memref_slice %arg2[%mul3A_2] : memref<1048576xf32, #tpu.memory_space<hbm>> -> memref<32768xf32, #tpu.memory_space<hbm>>
      tpu.enqueue_dma source(%dma_start3A_14 : memref<32768xf32, #tpu.memory_space<hbm>>) target(%arg5 : memref<32768xf32, #tpu.memory_space<vmem>>) target_semaphore(%run_scoped3A : memref<!tpu.dma_semaphore, #tpu.memory_space<semaphore_mem>>)
      %dma_wait3A = tpu.memref_slice %arg2[%mul3A_2] : memref<1048576xf32, #tpu.memory_space<hbm>> -> memref<32768xf32, #tpu.memory_space<hbm>>
      %dma_wait3A_15 = tpu.memref_slice %arg2[%mul3A_2] : memref<1048576xf32, #tpu.memory_space<hbm>> -> memref<32768xf32, #tpu.memory_space<hbm>>
      tpu.wait_dma2 semaphore(%run_scoped3A : memref<!tpu.dma_semaphore, #tpu.memory_space<semaphore_mem>>) src(%dma_wait3A_15 : memref<32768xf32, #tpu.memory_space<hbm>>) dst(%arg5 : memref<32768xf32, #tpu.memory_space<vmem>>)
      tpu.yield
    }) : () -> ()
    %iota3A = tpu.iota {dimensions = array<i32: 0>} : vector<16xi32>
    %lt3A = arith.constant 8 : i32
    %lt3A_3 = vector.broadcast %lt3A : i32 to vector<16xi32>
    %lt3A_4 = arith.cmpi slt, %iota3A, %lt3A_3 : vector<16xi32>
    %scan3A = arith.constant 0 : i32
    %scan3A_5 = arith.constant 0 : i32
    %scan3A_6 = arith.constant 512 : i32
    %scan3A_7 = arith.addi %scan3A_5, %scan3A_6 : i32
    %scan3A_8 = arith.constant 1 : i32
    scf.for %scan3A_14 = %scan3A_5 to %scan3A_7 step %scan3A_8  : i32 {
      %mul3A_15 = arith.constant 64 : i32
      %mul3A_16 = arith.muli %scan3A_14, %mul3A_15 : i32
      %add3A_17 = arith.constant 0 : i32
      %add3A_18 = arith.addi %mul3A_16, %add3A_17 : i32
      %get3A = arith.index_cast %add3A_18 : i32 to index
      %get3A_19 = tpu.vector_load %arg5[%get3A] {strides = array<i32>} : memref<32768xf32, #tpu.memory_space<vmem>>, vector<16xf32>,
      %add3A_20 = arith.constant 0 : i32
      %add3A_21 = vector.broadcast %add3A_20 : i32 to vector<16xi32>
      %add3A_22 = arith.addi %iota3A, %add3A_21 : vector<16xi32>
      %masked_sort3A = arith.constant dense<true> : vector<16xi1>
      %masked_sort3A_23, %masked_sort3A_24, %masked_sort3A_25 = tpu.sort %get3A_19, %add3A_22 masked %masked_sort3A {descending = true} : (vector<16xf32>, vector<16xi32>, vector<16xi1>) -> (vector<16xi1>, vector<16xf32>, vector<16xi32>)
      %add3A_26 = arith.constant 16 : i32
      %add3A_27 = arith.addi %mul3A_16, %add3A_26 : i32
      %get3A_28 = arith.index_cast %add3A_27 : i32 to index
      %get3A_29 = tpu.vector_load %arg5[%get3A_28] {strides = array<i32>} : memref<32768xf32, #tpu.memory_space<vmem>>, vector<16xf32>,
      %add3A_30 = arith.constant 16 : i32
      %add3A_31 = vector.broadcast %add3A_30 : i32 to vector<16xi32>
      %add3A_32 = arith.addi %iota3A, %add3A_31 : vector<16xi32>
      %masked_sort3A_33 = arith.constant dense<true> : vector<16xi1>
      %masked_sort3A_34, %masked_sort3A_35, %masked_sort3A_36 = tpu.sort %get3A_29, %add3A_32 masked %masked_sort3A_33 {descending = true} : (vector<16xf32>, vector<16xi32>, vector<16xi1>) -> (vector<16xi1>, vector<16xf32>, vector<16xi32>)
      %add3A_37 = arith.constant 32 : i32
      %add3A_38 = arith.addi %mul3A_16, %add3A_37 : i32
      %get3A_39 = arith.index_cast %add3A_38 : i32 to index
      %get3A_40 = tpu.vector_load %arg5[%get3A_39] {strides = array<i32>} : memref<32768xf32, #tpu.memory_space<vmem>>, vector<16xf32>,
      %add3A_41 = arith.constant 32 : i32
      %add3A_42 = vector.broadcast %add3A_41 : i32 to vector<16xi32>
      %add3A_43 = arith.addi %iota3A, %add3A_42 : vector<16xi32>
      %masked_sort3A_44 = arith.constant dense<true> : vector<16xi1>
      %masked_sort3A_45, %masked_sort3A_46, %masked_sort3A_47 = tpu.sort %get3A_40, %add3A_43 masked %masked_sort3A_44 {descending = true} : (vector<16xf32>, vector<16xi32>, vector<16xi1>) -> (vector<16xi1>, vector<16xf32>, vector<16xi32>)
      %add3A_48 = arith.constant 48 : i32
      %add3A_49 = arith.addi %mul3A_16, %add3A_48 : i32
      %get3A_50 = arith.index_cast %add3A_49 : i32 to index
      %get3A_51 = tpu.vector_load %arg5[%get3A_50] {strides = array<i32>} : memref<32768xf32, #tpu.memory_space<vmem>>, vector<16xf32>,
      %add3A_52 = arith.constant 48 : i32
      %add3A_53 = vector.broadcast %add3A_52 : i32 to vector<16xi32>
      %add3A_54 = arith.addi %iota3A, %add3A_53 : vector<16xi32>
      %masked_sort3A_55 = arith.constant dense<true> : vector<16xi1>
      %masked_sort3A_56, %masked_sort3A_57, %masked_sort3A_58 = tpu.sort %get3A_51, %add3A_54 masked %masked_sort3A_55 {descending = true} : (vector<16xf32>, vector<16xi32>, vector<16xi1>) -> (vector<16xi1>, vector<16xf32>, vector<16xi32>)
      %rev3A = arith.constant 15 : i32
      %rev3A_59 = vector.broadcast %rev3A : i32 to vector<16xi32>
      %rev3A_60 = tpu.iota {dimensions = array<i32: 0>} : vector<16xi32>
      %rev3A_61 = arith.subi %rev3A_59, %rev3A_60 : vector<16xi32>
      %rev3A_62 = tpu.dynamic_gather %masked_sort3A_35[%rev3A_61] in [0] : vector<16xf32>, vector<16xi32> -> vector<16xf32>
      %rev3A_63 = arith.constant 15 : i32
      %rev3A_64 = vector.broadcast %rev3A_63 : i32 to vector<16xi32>
      %rev3A_65 = tpu.iota {dimensions = array<i32: 0>} : vector<16xi32>
      %rev3A_66 = arith.subi %rev3A_64, %rev3A_65 : vector<16xi32>
      %rev3A_67 = tpu.dynamic_gather %masked_sort3A_36[%rev3A_66] in [0] : vector<16xi32>, vector<16xi32> -> vector<16xi32>
      %gt3A = arith.cmpf ogt, %rev3A_62, %masked_sort3A_24 : vector<16xf32>
      %select_n3A = arith.select %gt3A, %rev3A_62, %masked_sort3A_24 : vector<16xi1>, vector<16xf32>
      %select_n3A_68 = arith.select %gt3A, %rev3A_67, %masked_sort3A_25 : vector<16xi1>, vector<16xi32>
      %masked_sort3A_69 = arith.constant dense<true> : vector<16xi1>
      %masked_sort3A_70, %masked_sort3A_71, %masked_sort3A_72 = tpu.sort %select_n3A, %select_n3A_68 masked %masked_sort3A_69 {descending = true} : (vector<16xf32>, vector<16xi32>, vector<16xi1>) -> (vector<16xi1>, vector<16xf32>, vector<16xi32>)
      %rev3A_73 = arith.constant 15 : i32
      %rev3A_74 = vector.broadcast %rev3A_73 : i32 to vector<16xi32>
      %rev3A_75 = tpu.iota {dimensions = array<i32: 0>} : vector<16xi32>
      %rev3A_76 = arith.subi %rev3A_74, %rev3A_75 : vector<16xi32>
      %rev3A_77 = tpu.dynamic_gather %masked_sort3A_57[%rev3A_76] in [0] : vector<16xf32>, vector<16xi32> -> vector<16xf32>
      %rev3A_78 = arith.constant 15 : i32
      %rev3A_79 = vector.broadcast %rev3A_78 : i32 to vector<16xi32>
      %rev3A_80 = tpu.iota {dimensions = array<i32: 0>} : vector<16xi32>
      %rev3A_81 = arith.subi %rev3A_79, %rev3A_80 : vector<16xi32>
      %rev3A_82 = tpu.dynamic_gather %masked_sort3A_58[%rev3A_81] in [0] : vector<16xi32>, vector<16xi32> -> vector<16xi32>
      %gt3A_83 = arith.cmpf ogt, %rev3A_77, %masked_sort3A_46 : vector<16xf32>
      %select_n3A_84 = arith.select %gt3A_83, %rev3A_77, %masked_sort3A_46 : vector<16xi1>, vector<16xf32>
      %select_n3A_85 = arith.select %gt3A_83, %rev3A_82, %masked_sort3A_47 : vector<16xi1>, vector<16xi32>
      %masked_sort3A_86 = arith.constant dense<true> : vector<16xi1>
      %masked_sort3A_87, %masked_sort3A_88, %masked_sort3A_89 = tpu.sort %select_n3A_84, %select_n3A_85 masked %masked_sort3A_86 {descending = true} : (vector<16xf32>, vector<16xi32>, vector<16xi1>) -> (vector<16xi1>, vector<16xf32>, vector<16xi32>)
      %rev3A_90 = arith.constant 15 : i32
      %rev3A_91 = vector.broadcast %rev3A_90 : i32 to vector<16xi32>
      %rev3A_92 = tpu.iota {dimensions = array<i32: 0>} : vector<16xi32>
      %rev3A_93 = arith.subi %rev3A_91, %rev3A_92 : vector<16xi32>
      %rev3A_94 = tpu.dynamic_gather %masked_sort3A_88[%rev3A_93] in [0] : vector<16xf32>, vector<16xi32> -> vector<16xf32>
      %rev3A_95 = arith.constant 15 : i32
      %rev3A_96 = vector.broadcast %rev3A_95 : i32 to vector<16xi32>
      %rev3A_97 = tpu.iota {dimensions = array<i32: 0>} : vector<16xi32>
      %rev3A_98 = arith.subi %rev3A_96, %rev3A_97 : vector<16xi32>
      %rev3A_99 = tpu.dynamic_gather %masked_sort3A_89[%rev3A_98] in [0] : vector<16xi32>, vector<16xi32> -> vector<16xi32>
      %gt3A_100 = arith.cmpf ogt, %rev3A_94, %masked_sort3A_71 : vector<16xf32>
      %select_n3A_101 = arith.select %gt3A_100, %rev3A_94, %masked_sort3A_71 : vector<16xi1>, vector<16xf32>
      %select_n3A_102 = arith.select %gt3A_100, %rev3A_99, %masked_sort3A_72 : vector<16xi1>, vector<16xi32>
      %masked_sort3A_103 = arith.constant dense<true> : vector<16xi1>
      %masked_sort3A_104, %masked_sort3A_105, %masked_sort3A_106 = tpu.sort %select_n3A_101, %select_n3A_102 masked %masked_sort3A_103 {descending = true} : (vector<16xf32>, vector<16xi32>, vector<16xi1>) -> (vector<16xi1>, vector<16xf32>, vector<16xi32>)
      %reduce_max3A = arith.constant true
      %reduce_max3A_107 = vector.broadcast %reduce_max3A : i1 to vector<16xi1>
      %reduce_max3A_108 = tpu.scan <max>, %masked_sort3A_105 masked %reduce_max3A_107 : vector<16xf32>, vector<16xi1> -> vector<16xf32>
      %reduce_max3A_109 = vector.extract %reduce_max3A_108[15] : f32 from vector<16xf32>
      %sub3A = vector.broadcast %reduce_max3A_109 : f32 to vector<16xf32>
      %sub3A_110 = arith.subf %masked_sort3A_105, %sub3A : vector<16xf32>
      %exp3A = math.exp %sub3A_110 : vector<16xf32>
      %jit3A = arith.constant 0.000000e+00 : f32
      %broadcast_in_dim3A = vector.broadcast %jit3A : f32 to vector<16xf32>
      %select_n3A_111 = arith.select %lt3A_4, %exp3A, %broadcast_in_dim3A : vector<16xi1>, vector<16xf32>
      %reduce_sum3A = arith.constant true
      %reduce_sum3A_112 = vector.broadcast %reduce_sum3A : i1 to vector<16xi1>
      %reduce_sum3A_113 = tpu.scan <sum>, %select_n3A_111 masked %reduce_sum3A_112 : vector<16xf32>, vector<16xi1> -> vector<16xf32>
      %reduce_sum3A_114 = vector.extract %reduce_sum3A_113[15] : f32 from vector<16xf32>
      %div3A = vector.broadcast %reduce_sum3A_114 : f32 to vector<16xf32>
      %div3A_115 = arith.divf %select_n3A_111, %div3A : vector<16xf32>
      %mul3A_116 = arith.constant 8 : i32
      %mul3A_117 = arith.muli %scan3A_14, %mul3A_116 : i32
      %jit3A_118 = arith.constant 0 : i32
      %broadcast_in_dim3A_119 = vector.broadcast %jit3A_118 : i32 to vector<16xi32>
      %select_n3A_120 = arith.select %lt3A_4, %iota3A, %broadcast_in_dim3A_119 : vector<16xi1>, vector<16xi32>
      %add3A_121 = vector.broadcast %mul3A_117 : i32 to vector<16xi32>
      %add3A_122 = arith.addi %add3A_121, %select_n3A_120 : vector<16xi32>
      tpu.vector_store_idx %arg6[%add3A_122], %div3A_115 masked %lt3A_4 : memref<4096xf32, #tpu.memory_space<vmem>>[vector<16xi32>], vector<16xf32>, vector<16xi1>
      %jit3A_123 = arith.constant 0 : i32
      %broadcast_in_dim3A_124 = vector.broadcast %jit3A_123 : i32 to vector<16xi32>
      %select_n3A_125 = arith.select %lt3A_4, %masked_sort3A_106, %broadcast_in_dim3A_124 : vector<16xi1>, vector<16xi32>
      tpu.vector_store_idx %arg7[%add3A_122], %select_n3A_125 masked %lt3A_4 : memref<4096xi32, #tpu.memory_space<vmem>>[vector<16xi32>], vector<16xi32>, vector<16xi1>
    }
    %scan3A_9 = arith.constant 512 : i32
    %mul3A_10 = arith.constant 4096 : i32
    %mul3A_11 = arith.muli %add3A, %mul3A_10 : i32
    "tpu.region"() ({
      %run_scoped3A = tpu.sem_alloc : memref<!tpu.dma_semaphore, #tpu.memory_space<semaphore_mem>>
      %dma_start3A = tpu.memref_slice %arg3[%mul3A_11] : memref<131072xf32, #tpu.memory_space<hbm>> -> memref<4096xf32, #tpu.memory_space<hbm>>
      %dma_start3A_14 = tpu.memref_slice %arg3[%mul3A_11] : memref<131072xf32, #tpu.memory_space<hbm>> -> memref<4096xf32, #tpu.memory_space<hbm>>
      tpu.enqueue_dma source(%arg6 : memref<4096xf32, #tpu.memory_space<vmem>>) target(%dma_start3A_14 : memref<4096xf32, #tpu.memory_space<hbm>>) target_semaphore(%run_scoped3A : memref<!tpu.dma_semaphore, #tpu.memory_space<semaphore_mem>>)
      %dma_wait3A = tpu.memref_slice %arg3[%mul3A_11] : memref<131072xf32, #tpu.memory_space<hbm>> -> memref<4096xf32, #tpu.memory_space<hbm>>
      %dma_wait3A_15 = tpu.memref_slice %arg3[%mul3A_11] : memref<131072xf32, #tpu.memory_space<hbm>> -> memref<4096xf32, #tpu.memory_space<hbm>>
      tpu.wait_dma2 semaphore(%run_scoped3A : memref<!tpu.dma_semaphore, #tpu.memory_space<semaphore_mem>>) src(%arg6 : memref<4096xf32, #tpu.memory_space<vmem>>) dst(%dma_wait3A_15 : memref<4096xf32, #tpu.memory_space<hbm>>)
      tpu.yield
    }) : () -> ()
    %mul3A_12 = arith.constant 4096 : i32
    %mul3A_13 = arith.muli %add3A, %mul3A_12 : i32
    "tpu.region"() ({
      %run_scoped3A = tpu.sem_alloc : memref<!tpu.dma_semaphore, #tpu.memory_space<semaphore_mem>>
      %dma_start3A = tpu.memref_slice %arg4[%mul3A_13] : memref<131072xi32, #tpu.memory_space<hbm>> -> memref<4096xi32, #tpu.memory_space<hbm>>
      %dma_start3A_14 = tpu.memref_slice %arg4[%mul3A_13] : memref<131072xi32, #tpu.memory_space<hbm>> -> memref<4096xi32, #tpu.memory_space<hbm>>
      tpu.enqueue_dma source(%arg7 : memref<4096xi32, #tpu.memory_space<vmem>>) target(%dma_start3A_14 : memref<4096xi32, #tpu.memory_space<hbm>>) target_semaphore(%run_scoped3A : memref<!tpu.dma_semaphore, #tpu.memory_space<semaphore_mem>>)
      %dma_wait3A = tpu.memref_slice %arg4[%mul3A_13] : memref<131072xi32, #tpu.memory_space<hbm>> -> memref<4096xi32, #tpu.memory_space<hbm>>
      %dma_wait3A_15 = tpu.memref_slice %arg4[%mul3A_13] : memref<131072xi32, #tpu.memory_space<hbm>> -> memref<4096xi32, #tpu.memory_space<hbm>>
      tpu.wait_dma2 semaphore(%run_scoped3A : memref<!tpu.dma_semaphore, #tpu.memory_space<semaphore_mem>>) src(%arg7 : memref<4096xi32, #tpu.memory_space<vmem>>) dst(%dma_wait3A_15 : memref<4096xi32, #tpu.memory_space<hbm>>)
      tpu.yield
    }) : () -> ()
    return
  }
}

module attributes {stable_mosaic.version = 14 : i64} {
  func.func @_gate_body(%arg0: i32, %arg1: memref<1024x4096xf32, #tpu.memory_space<vmem>>, %arg2: memref<64x4096xf32, #tpu.memory_space<vmem>>, %arg3: memref<1024x64xf32, #tpu.memory_space<vmem>>) attributes {dimension_semantics = [#tpu.dimension_semantics<parallel>], iteration_bounds = array<i64: 16>, scalar_prefetch = 0 : i64, scratch_operands = 0 : i64, tpu.core_type = #tpu.core_type<tc>, window_params = [{transform_indices = @transform_0, window_bounds = array<i64: 1024, 4096>}, {pipeline_mode = #tpu.pipeline_mode<synchronous>, transform_indices = @transform_1, window_bounds = array<i64: 64, 4096>}, {transform_indices = @transform_2, window_bounds = array<i64: 1024, 64>}]} {
    %get3A = arith.constant 0 : index
    %get3A_0 = arith.constant 0 : index
    %get3A_1 = vector.load %arg1[%get3A, %get3A_0] : memref<1024x4096xf32, #tpu.memory_space<vmem>>, vector<1024x4096xf32>
    %get3A_2 = arith.constant 0 : index
    %get3A_3 = arith.constant 0 : index
    %get3A_4 = vector.load %arg2[%get3A_2, %get3A_3] : memref<64x4096xf32, #tpu.memory_space<vmem>>, vector<64x4096xf32>
    %dot_general3A = arith.constant dense<0.000000e+00> : vector<1024x64xf32>
    %dot_general3A_5 = tpu.matmul %get3A_1, %get3A_4, %dot_general3A {dimension_numbers = #tpu.dot_dimension_numbers<[1], [1], [0], [0], [0, 0, 1, 0], [], []>, transpose_lhs_hint = false} : vector<1024x4096xf32>, vector<64x4096xf32>, vector<1024x64xf32> -> vector<1024x64xf32>
    %swap3A = arith.constant 0 : index
    %swap3A_6 = arith.constant 0 : index
    %swap3A_7 = vector.load %arg3[%swap3A, %swap3A_6] : memref<1024x64xf32, #tpu.memory_space<vmem>>, vector<1024x64xf32>
    tpu.vector_store %arg3[%swap3A, %swap3A_6], %dot_general3A_5 {strides = array<i32>} : memref<1024x64xf32, #tpu.memory_space<vmem>>, vector<1024x64xf32>,
    return
  }
  func.func @transform_0(%arg0: i32) -> (i32, i32) {
    %c0_i32 = arith.constant 0 : i32
    %c0_i32_0 = arith.constant 0 : i32
    return %arg0, %c0_i32 : i32, i32
  }
  func.func @transform_1(%arg0: i32) -> (i32, i32) {
    %c0_i32 = arith.constant 0 : i32
    %c0_i32_0 = arith.constant 0 : i32
    %c0_i32_1 = arith.constant 0 : i32
    return %c0_i32, %c0_i32_0 : i32, i32
  }
  func.func @transform_2(%arg0: i32) -> (i32, i32) {
    %c0_i32 = arith.constant 0 : i32
    %c0_i32_0 = arith.constant 0 : i32
    return %arg0, %c0_i32 : i32, i32
  }
}

</mosaic_0001>

<sc_bundles>
// kernel: kernel.4.cloned.1.call-start
scs
__scs_entry_jumppad:
0x0: {  	(pc) =	sbr.rel $0x88, $3  }
0x1: {  	(tag) =	ssettag $0x0;
	lr =	simm.s32 $0x1  }
0x2: {  	[smem:$0x3F9F] =	sst lr;
	_ =	strace $0xD0000000  }
0x3: {  	_ = 	snop  }
0x4: {  	_ = 	snop  }
0x5: {  	_ = 	snop  }
0x6: {  	_ = 	snop  }
0x7: {  	_ = 	snop  }
__scs_overlays_trampoline_lowered:
0x8: {  	[smem:$0x3FAE] =	sst s0  }
0x9: {  	[smem:$0x3FAF] =	sst s1  }
0xa: {  	[smem:$0x3FB0] =	sst s2  }
0xb: {  	[smem:$0x3FB1] =	sst s3  }
0xc: {  	[smem:$0x3FB2] =	sst s4  }
0xd: {  	[smem:$0x3FB3] =	sst s5  }
0xe: {  	[smem:$0x3FB4] =	sst s6  }
0xf: {  	[smem:$0x3FB5] =	sst s7  }
0x10: {  	[smem:$0x3FB6] =	sst s8  }
0x11: {  	[smem:$0x3FB7] =	sst s9;
	s0 =	simm.s32 @!p0 $0x0  }
0x12: {  	s1 =	sld [smem:$0x3F9D];
	s0 =	simm.s32 @p0 $0x1  }
0x13: {  	[smem:$0x3FB8] =	sst s0;
	s0 =	simm.s32 @!p1 $0x0  }
0x14: {  	s2 =	sld [smem:$0x3F9C];
	s0 =	simm.s32 @p1 $0x1  }
0x15: {  	[smem:$0x3FB9] =	sst s0;
	s0 =	simm.s32 @!p2 $0x0  }
0x16: {  	s3 =	sld [smem:$0x3FDB];
	s0 =	simm.s32 @p2 $0x1  }
0x17: {  	s4 =	simm.s32 $0x1BF5;
	[smem:$0x3FBB] =	sst s0  }
0x18: {  	s0 =	sld [smem:$0x3F9E];
	_ =	swait.ge [sflag:s4], $0x0  }
0x19: {  	s7 =	sld [smem:$0x3F9F]  }
0x1a: {  	s8 =	sadd.s32 $0xFFFFE003, lr  }
0x1b: {  	s9 =	sadd.s32 $0xFFFFFEF7, lr;
	s5 =	simm.s32 $0xFFFFFFFF;
	p2 =	slt.u32 s8, $0xFFFFF086  }
0x1c: {  	p1 =	slt.u32 s9, $0xF7A;
	s5 =	simm.s32 @!p2 $0x0  }
0x1d: {  	s5 =	simm.s32 @p1 $0x1;
	p0 =	seq.s32 s7, s2  }
0x1e: {  	s7 =	smul.u32 @!p0 $0xF7A, s2;
	p2 =	seq.s32 @!p0 s5, $0x0  }
0x1f: {  	s9 =	smul.u32 $0xF7A, s1;
	s8 =	simm.s32 @!p0 $0x1BF5;
	p2 =	por !p2, p0  }
0x20: {  	[sflag:s8] =	ssyncset.s32 @!p0 $0xFFFFF086;
	s6 =	sadd.s32 @!p0 s3, s7;
	s7 =	simm.s32 @!p0 $0x108  }
0x21: {  	s3 =	sadd.s32 s3, s9;
	s6 =	sadd.s32 @!p0 $0x88, s6;
	s7 =	simm.s32 @p2 $0x1082  }
0x22: {  	[simem:s7], [sflag:s8] =	dma.local @!p0 [hbm:s6], $0xF7A  }
0x23: {  	s9 =	sor.u32 $0xD0000000, s2;
	s6 =	simm.s32 $0x108;
	_ =	swait.ge @!p0 [sflag:s8], $0x0  }
0x24: {  	s3 =	sadd.s32 $0x88, s3;
	s6 =	simm.s32 @!p1 $0x1082;
	[sflag:s4] =	ssyncset.s32 $0xFFFFF086  }
0x25: {  	[simem:s6], [sflag:s4] =	dma.local [hbm:s3], $0xF7A  }
0x26: {  	[smem:$0x3F9F] =	sst s1;
	(tag) =	ssettag s2;
	_ =	strace s9  }
0x27: {  	s1 =	sld [smem:$0x3FAF]  }
0x28: {  	s2 =	sld [smem:$0x3FB0]  }
0x29: {  	s4 =	sld [smem:$0x3FB2]  }
0x2a: {  	p0 =	seq.s32 s5, $0x0;
	s5 =	sld [smem:$0x3FB3]  }
0x2b: {  	s6 =	sld [smem:$0x3FB4]  }
0x2c: {  	s7 =	sld [smem:$0x3FB5]  }
0x2d: {  	s3 =	simm.s32 $0x108;
	s8 =	sld [smem:$0x3FB6]  }
0x2e: {  	s3 =	simm.s32 @!p0 $0x1082;
	s9 =	sld [smem:$0x3FB7]  }
0x2f: {  	lr =	sadd.s32 s0, s3;
	s0 =	sld [smem:$0x3FAE]  }
0x30: {  	s3 =	sld [smem:$0x3FB1]  }
0x31: {  	[smem:$0x3FBA] =	sst s10  }
0x32: {  	s10 =	sld [smem:$0x3FB8];
	_ =	sdelay $0x3  }
0x33: {  	p0 =	seq.s32 s10, $0x1;
	s10 =	sld [smem:$0x3FBA];
	_ =	sdelay $0x3  }
0x34: {  	[smem:$0x3FBA] =	sst s10  }
0x35: {  	s10 =	sld [smem:$0x3FB9];
	_ =	sdelay $0x3  }
0x36: {  	p1 =	seq.s32 s10, $0x1;
	s10 =	sld [smem:$0x3FBA];
	_ =	sdelay $0x3  }
0x37: {  	[smem:$0x3FBA] =	sst s10  }
0x38: {  	s10 =	sld [smem:$0x3FBB]  }
0x39: {  	_ = 	snop;
	(pc) =	sbr.ind lr, $3  }
0x3a: {  	_ = 	snop  }
0x3b: {  	_ = 	snop  }
0x3c: {  	p2 =	seq.s32 s10, $0x1;
	s10 =	sld [smem:$0x3FBA]  }
0x3d: {  	_ =	shalt  }
0x3e: {  	_ =	shalt  }
0x3f: {  	_ =	shalt  }
0x40: {  	_ =	shalt  }
0x41: {  	_ =	shalt  }
0x42: {  	_ =	shalt  }
0x43: {  	_ =	shalt  }
0x44: {  	_ =	shalt  }
0x45: {  	_ =	shalt  }
0x46: {  	_ =	shalt  }
0x47: {  	_ =	shalt  }
0x48: {  	_ =	shalt  }
0x49: {  	_ =	shalt  }
0x4a: {  	_ =	shalt  }
0x4b: {  	_ =	shalt  }
0x4c: {  	_ =	shalt  }
0x4d: {  	_ =	shalt  }
0x4e: {  	_ =	shalt  }
0x4f: {  	_ =	shalt  }
0x50: {  	_ =	shalt  }
0x51: {  	_ =	shalt  }
0x52: {  	_ =	shalt  }
0x53: {  	_ =	shalt  }
0x54: {  	_ =	shalt  }
0x55: {  	_ =	shalt  }
0x56: {  	_ =	shalt  }
0x57: {  	_ =	shalt  }
0x58: {  	_ =	shalt  }
0x59: {  	_ =	shalt  }
0x5a: {  	_ =	shalt  }
0x5b: {  	_ =	shalt  }
0x5c: {  	_ =	shalt  }
0x5d: {  	_ =	shalt  }
0x5e: {  	_ =	shalt  }
0x5f: {  	_ =	shalt  }
0x60: {  	_ =	shalt  }
0x61: {  	_ =	shalt  }
0x62: {  	_ =	shalt  }
0x63: {  	_ =	shalt  }
0x64: {  	_ =	shalt  }
0x65: {  	_ =	shalt  }
0x66: {  	_ =	shalt  }
0x67: {  	_ =	shalt  }
0x68: {  	_ =	shalt  }
0x69: {  	_ =	shalt  }
0x6a: {  	_ =	shalt  }
0x6b: {  	_ =	shalt  }
0x6c: {  	_ =	shalt  }
0x6d: {  	_ =	shalt  }
0x6e: {  	_ =	shalt  }
0x6f: {  	_ =	shalt  }
0x70: {  	_ =	shalt  }
0x71: {  	_ =	shalt  }
0x72: {  	_ =	shalt  }
0x73: {  	_ =	shalt  }
0x74: {  	_ =	shalt  }
0x75: {  	_ =	shalt  }
0x76: {  	_ =	shalt  }
0x77: {  	_ =	shalt  }
0x78: {  	_ =	shalt  }
0x79: {  	_ =	shalt  }
0x7a: {  	_ =	shalt  }
0x7b: {  	_ =	shalt  }
0x7c: {  	_ =	shalt  }
0x7d: {  	_ =	shalt  }
0x7e: {  	_ =	shalt  }
0x7f: {  	_ =	shalt  }
0x80: {  	_ =	shalt  }
0x81: {  	_ =	shalt  }
0x82: {  	_ =	shalt  }
0x83: {  	_ =	shalt  }
0x84: {  	_ =	shalt  }
0x85: {  	_ =	shalt  }
0x86: {  	_ =	shalt  }
0x87: {  	_ =	shalt  }
.Lfunc_end0:
.L_simem_size_0:
called_computation_lowered:
.L_overlay_start_0:
0x88: {  	s2 =	sld [smem:$0x3FD9]  }
0x89: {  	s3 =	sld [smem:$0x3FFE];
	_ =	sdelay $0x1  }
0x8a: {  	s1 =	srdreg.scid  }
0x8b: {  	s0 =	sand.u32 $0x1, s1  }
0x8c: {  	s14 =	sshll.u32 s0, $0xA;
	s2 =	sadd.s32 s3, s2  }
0x8d: {  	s2 =	sadd.s32 s2, s14  }
0x8e: {  	[smem:$0x3FC6] =	sst s2  }
0x8f: {  	_ = 	snop  }
0x90: {  	s2 =	sld [smem:$0x3FD0];
	_ =	sdelay $0x2  }
0x91: {  	s15 =	simm.s32 $0xA;
	s4 =	simm.s32 $0x10  }
0x92: {  	[smem:s4], [sflag:s15] =	dma.local [hbm:s2], $0x1  }
0x93: {  	_ =	swait.eq [sflag:s15], $0x1  }
0x94: {  	[sflag:s15] =	ssyncset.done $0x0  }
0x95: {  	[sflag:s15] =	ssyncadd.s32 $0xFFFFFFFF  }
0x96: {  	s16 =	sld [smem:$0x11];
	(tm) =	ssettm $0x1  }
0x97: {  	s17 =	sld [smem:$0x3FFB];
	_ =	sdelay $0x3  }
0x98: {  	_ =	strace s17  }
0x99: {  	s3 =	sld [smem:$0x3FFC];
	_ =	sdelay $0x3  }
0x9a: {  	_ =	strace s3  }
0x9b: {  	s3 =	sld [smem:$0x3FFD];
	_ =	sdelay $0x3  }
0x9c: {  	_ =	strace s3  }
0x9d: {  	_ =	strace $0x8FFFFFFF  }
0x9e: {  	s18 =	sld [smem:$0x3FDB];
	_ =	sdelay $0x1  }
0x9f: {  	s19 =	simm.s32 $_scs_section_size  }
0xa0: {  	s5 =	simm.s32 $_size__tile_overlayer_lowered;
	s6 =	simm.s32 $_tile_overlayer_lowered  }
0xa1: {  	s22 =	simm.s32 $0x1BFF;
	s21 =	sshll.u32 s6, $0x1;
	s3 =	sadd.s32 s19, s18  }
0xa2: {  	s7 =	simm.s32 $0x0;
	s20 =	sshll.u32 s5, $0x1;
	s5 =	sadd.s32 s21, s3  }
0xa3: {  	[timem:s7], [sflag:s22] =	dma.local [hbm:s5], s20  }
0xa4: {  	_ =	swait.ge [sflag:s22], s20  }
0xa5: {  	s4 =	ssub.s32 $0x0, s20;
	[sflag:s22] =	ssyncset.done $0x0  }
0xa6: {  	[sflag:s22] =	ssyncadd.s32 s4;
	_ =	sdelay $0x1  }
0xa7: {  	s23 =	simm.s32 $0x1B8B  }
0xa8: {  	_ =	swait.ge [sflag:s23], $0x1  }
0xa9: {  	[sflag:s23] =	ssyncset.done $0x0  }
0xaa: {  	s25 =	simm.s32 $0x1B8E;
	s24 =	sld [smem:$0x3FFE];
	[sflag:s23] =	ssyncadd.s32 $0xFFFFFFFF  }
0xab: {  	s26 =	simm.s32 $execute0_lowered;
	[smem:$0x3FD2] =	sst s25  }
0xac: {  	s5 =	sshll.u32 s26, $0x1;
	_ =	strace $0x80000046;
	[dreg:$0x1] =	wrdreg $0xFFFFFFFF  }
0xad: {  	s28 =	simm.s32 $_size_execute0_lowered;
	s3 =	sadd.s32 s3, s5;
	[dreg:$0x0] =	wrdreg $0x0  }
0xae: {  	s5 =	sshll.u32 s28, $0x1;
	[dreg:$0x2] =	wrdreg s3  }
0xaf: {  	[dreg:$0x3] =	wrdreg s5  }
0xb0: {  	[dreg:$0x4] =	wrdreg $0xC0  }
0xb1: {  	_ =	task [dreg:s7], $0x5FFFF  }
0xb2: {  	[dreg:$0x1] =	wrdreg $0xFFFFFFFF  }
0xb3: {  	[dreg:$0x0] =	wrdreg $0x60  }
0xb4: {  	[dreg:$0x2] =	wrdreg s24  }
0xb5: {  	[dreg:$0x3] =	wrdreg s16  }
0xb6: {  	[dreg:$0x4] =	wrdreg $0x9  }
0xb7: {  	_ =	task.clear_ibuf [dreg:s7], $0x5FFFF;
	_ =	strace $0x90000046  }
0xb8: {  	s29 =	simm.s32 $0x9;
	_ =	strace $0x80000048  }
0xb9: {  	_ =	swait.ge [sflag:s29], $0x1  }
0xba: {  	[sflag:s29] =	ssyncadd.s32 $0xFFFFFFFF  }
0xbb: {  	_ =	strace $0x90000048  }
0xbc: {  	_ =	sfence  }
0xbd: {  	s30 =	sld [smem:$0x0];
	_ =	sdelay $0x2  }
0xbe: {  	s31 =	sshll.u32 s1, $0xD;
	s1 =	sshrl.u32 s1, $0x2  }
0xbf: {  	s3 =	sand.u32 $0x4000, s31;
	s1 =	sadd.s32 s1, s30  }
0xc0: {  	s0 =	sor.u32 s3, s0;
	s1 =	sshll.u32 s1, $0x11  }
0xc1: {  	s0 =	sor.u32 s1, s0  }
0xc2: {  	s0 =	sadd.s32 $0x8F2B, s0  }
0xc3: {  	[sflag:s0] =	ssyncadd.remote.s32 $0x1  }
0xc4: {  	_ =	sfence.sel $0xFFFF  }
0xc5: {  	[dreg:$0x0] =	wrdreg $0xFFFFFFFF;
	(pc) =	sbr.abs _section_cstart, $3  }
0xc6: {  	[dreg:$0x1] =	wrdreg $0xFFFFFFFF  }
0xc7: {  	_ =	task.clear_ibuf [dreg:s7], $0x2FFFF;
	_ =	strace $0x9FFFFFFF  }
0xc8: {  	(tm) =	ssettm $0x7FFFFFFF  }
0xc9: {  	_ =	shalt  }
tec
execute0_lowered:
.L_overlay_start_1:
0x0: {  	(tag) =	ssettag $0x1  }
0x1: {  	s3 =	rddreg [dreg:$0x0]  }
0x2: {  	s4 =	rddreg [dreg:$0x1]  }
0x3: {  	s0 =	rddreg [dreg:$0x2]  }
0x4: {  	s5 =	srdreg.scid;
	s1 =	stileid.u32  }
0x5: {  	s2 =	simm.s32 $0x0;
	s5 =	sand.u32 $0x1, s5;
	s6 =	sshll.u32 s1, $0x1  }
0x6: {  	v0 =	vimm.s32 $0x76543210;
	s10 =	simm.s32 $0x0;
	[smem:$0x7FF] =	sst s2;
	s6 =	sor.u32 s5, s6  }
0x7: {  	v2 =	vunpack.c.l.s4.s8 v0;
	_ =	strace $0x80000047;
	s5 =	ssub.s32 $0x2, s5;
	s7 =	sshll.u32 s6, $0xC  }
0x8: {  	v0 =	vlaneseq.u32;
	s6 =	sshll.u32 s6, $0x9;
	s31 =	sshrl.u32 s5, $0x1;
	s7 =	sadd.s32 s7, s3  }
0x9: {  	vm1 =	vcmask $0x2300;
	v4 =	vmul.u32 $0xFFFFFFFF, v0;
	v5 =	vunpack.c.0.s8.s32 v2;
	s8 =	sadd.s32 s6, s3;
	s9 =	ssub.s32 s5, s31;
	s4 =	sadd.s32 s4, s6  }
0xa: {  	vm0 =	vmmov $0xff;
	v1 =	vor.u32 $0x10, v0;
	v3 =	vor.u32 $0x30, v0;
	s3 =	sadd.s32 $0xC00, s7;
	s5 =	sadd.s32 $0x20C00, s8;
	s6 =	smax.u32 s9, $0x1  }
0xb: {  	v2 =	vor.u32 $0x20, v0;
	v4 =	vadd.s32 $0xF, v4;
	s7 =	simm.s32 $0x1;
	v5 =	vnsel vm1, $0x0, v5;
	s8 =	simm.s32 $0x8000;
	s9 =	simm.s32 $0x9000  }
.LBB2_1:
0xc: {  	[tilespmem:s2], [sflag:$0x1] =	stream.linear.gather [hbm4b:s3+s2], $0x8000, $0x38;
	[tilespmem:$0xA000] =	vst v63  }
0xd: {  	_ =	swait.ge [sflag:s7], $0x8000  }
0xe: {  	[sflag:s7] =	ssyncset.done $0x0  }
0xf: {  	s12 =	simm.s32 $0x20;
	[sflag:s7] =	ssyncadd.s32 $0xFFFF8000  }
0x10: {  	v6 =	vld [tilespmem:s12+$0x10]  }
0x11: {  	s13 =	simm.s32 $0x8;
	s11 =	simm.s32 $0x0;
	v7 =	vld [tilespmem:s12+$0x0]  }
.LBB2_2:
0x12: {  	p0 =	sne.s32 s13, $0xFF8;
	v8 =	vld [tilespmem:s12+$0xFFFFFFF0];
	_ =	sdelay $0x1  }
0x13: {  	v9 =	vld [tilespmem:s12+$0xFFFFFFE0]  }
0x14: {  	(xrf1) =	vsort.dscd.msk.f32 $0xffff, v6, v3  }
0x15: {  	(xrf1) =	vsort.dscd.msk.f32 $0xffff, v7, v2  }
0x16: {  	(xrf1) =	vsort.dscd.msk.f32 $0xffff, v8, v1;
	_ =	sdelay $0x1  }
0x17: {  	(xrf1) =	vsort.dscd.msk.f32 $0xffff, v9, v0;
	_ =	sdelay $0x9  }
0x18: {  	v6, v7, _ =	vpop (xrf1)  }
0x19: {  	v6 =	vperm.xlane v6, v4;
	v8, v9, _ =	vpop (xrf1)  }
0x1a: {  	v7 =	vperm.xlane v7, v4;
	v10, v11, _ =	vpop (xrf1)  }
0x1b: {  	v10 =	vperm.xlane v10, v4;
	vm1 =	vgt.f32 v6, v8  }
0x1c: {  	v11 =	vperm.xlane v11, v4;
	v6 =	vsel vm1, v6, v8;
	v7 =	vsel vm1, v7, v9;
	v8, v9, _ =	vpop (xrf1)  }
0x1d: {  	vm1 =	vgt.f32 v10, v8;
	(xrf1) =	vsort.dscd.msk.f32 $0xffff, v6, v7  }
0x1e: {  	v6 =	vsel vm1, v10, v8;
	v7 =	vsel vm1, v11, v9  }
0x1f: {  	(xrf1) =	vsort.dscd.msk.f32 $0xffff, v6, v7;
	_ =	sdelay $0xb  }
0x20: {  	v6, v7, _ =	vpop (xrf1)  }
0x21: {  	v6 =	vperm.xlane v6, v4  }
0x22: {  	v7 =	vperm.xlane v7, v4;
	v8, v9, _ =	vpop (xrf1)  }
0x23: {  	vm1 =	vgt.f32 v6, v8  }
0x24: {  	v6 =	vsel vm1, v6, v8;
	v7 =	vsel vm1, v7, v9  }
0x25: {  	(xrf1) =	vsort.dscd.msk.f32 $0xffff, v6, v7;
	_ =	sdelay $0xd  }
0x26: {  	v6, v7, _ =	vpop (xrf1)  }
0x27: {  	v7 =	vnsel vm0, $0x0, v7;
	(xrf0) =	vmax.scan.msk.f32 $0xffff, v6;
	_ =	sdelay $0x5  }
0x28: {  	v8, _, _ =	vpop (xrf0)  }
0x29: {  	v8 =	vbroadcast v8, $0xF;
	_ =	sdelay $0x1  }
0x2a: {  	v6 =	vsub.f32 v6, v8;
	_ =	sdelay $0x1  }
0x2b: {  	v6 =	vmul.f32 $1.442695020e+00, v6;
	_ =	sdelay $0x1  }
0x2c: {  	(erf) = vpow2.f32 v6;
	_ =	sdelay $0x8  }
0x2d: {  	v6 =	vpop (erf)  }
0x2e: {  	v6 =	vnsel vm0, $0x0, v6  }
0x2f: {  	(xrf2) =	vadd.scan.msk.f32 $0xffff, v6;
	_ =	sdelay $0x9  }
0x30: {  	v8, _, _ =	vpop (xrf2)  }
0x31: {  	v8 =	vbroadcast v8, $0xF;
	_ =	sdelay $0x1  }
0x32: {  	(erf) = vrcp.f32 v8;
	_ =	sdelay $0x6  }
0x33: {  	v8 =	vor.u32 s11, v5;
	s11 =	smov.u32 s13;
	_ =	sdelay $0x1  }
0x34: {  	v9 =	vpop (erf)  }
0x35: {  	v6 =	vmul.f32 v9, v6  }
.Ltmp0:
0x36: {  	(pc) =	sbr.rel @p0 .LBB2_2-.Ltmp0, $4  }
0x37: {  	[tilespmem:v8+s8+$0x0] =	vst.idx.msk $0xff, v6  }
0x38: {  	s12 =	sadd.s32 $0x40, s12;
	[tilespmem:v8+s9+$0x0] =	vst.idx.msk $0xff, v7  }
0x39: {  	v6 =	vld [tilespmem:s12+$0x10]  }
0x3a: {  	s13 =	sadd.s32 $0x8, s13;
	v7 =	vld [tilespmem:s12+$0x0]  }
0x3b: {  	v8 =	vld [tilespmem:s12+$0xFFFFFFF0];
	_ =	sdelay $0x1  }
0x3c: {  	v9 =	vld [tilespmem:s12+$0xFFFFFFE0]  }
0x3d: {  	(xrf1) =	vsort.dscd.msk.f32 $0xffff, v6, v3  }
0x3e: {  	(xrf1) =	vsort.dscd.msk.f32 $0xffff, v7, v2  }
0x3f: {  	(xrf1) =	vsort.dscd.msk.f32 $0xffff, v8, v1;
	_ =	sdelay $0x1  }
0x40: {  	(xrf1) =	vsort.dscd.msk.f32 $0xffff, v9, v0;
	_ =	sdelay $0x9  }
0x41: {  	v6, v7, _ =	vpop (xrf1)  }
0x42: {  	v6 =	vperm.xlane v6, v4;
	v54, v55, _ =	vpop (xrf1)  }
0x43: {  	v7 =	vperm.xlane v7, v4;
	v10, v11, _ =	vpop (xrf1)  }
0x44: {  	v10 =	vperm.xlane v10, v4;
	vm1 =	vgt.f32 v6, v54  }
0x45: {  	v11 =	vperm.xlane v11, v4;
	v56, v57, _ =	vpop (xrf1);
	v6 =	vsel vm1, v6, v54;
	v7 =	vsel vm1, v7, v55  }
0x46: {  	vm1 =	vgt.f32 v10, v56;
	(xrf1) =	vsort.dscd.msk.f32 $0xffff, v6, v7  }
0x47: {  	v6 =	vsel vm1, v10, v56;
	v7 =	vsel vm1, v11, v57  }
0x48: {  	(xrf1) =	vsort.dscd.msk.f32 $0xffff, v6, v7;
	_ =	sdelay $0xb  }
0x49: {  	v6, v7, _ =	vpop (xrf1)  }
0x4a: {  	v6 =	vperm.xlane v6, v4  }
0x4b: {  	v7 =	vperm.xlane v7, v4;
	v58, v59, _ =	vpop (xrf1)  }
0x4c: {  	vm1 =	vgt.f32 v6, v58  }
0x4d: {  	v6 =	vsel vm1, v6, v58;
	v7 =	vsel vm1, v7, v59  }
0x4e: {  	(xrf1) =	vsort.dscd.msk.f32 $0xffff, v6, v7;
	_ =	sdelay $0xd  }
0x4f: {  	v6, v7, _ =	vpop (xrf1)  }
0x50: {  	(xrf0) =	vmax.scan.msk.f32 $0xffff, v6;
	_ =	sdelay $0x5  }
0x51: {  	v60, _, _ =	vpop (xrf0)  }
0x52: {  	v8 =	vbroadcast v60, $0xF;
	_ =	sdelay $0x1  }
0x53: {  	v6 =	vsub.f32 v6, v8;
	_ =	sdelay $0x1  }
0x54: {  	v6 =	vmul.f32 $1.442695020e+00, v6;
	_ =	sdelay $0x1  }
0x55: {  	(erf) = vpow2.f32 v6;
	_ =	sdelay $0x8  }
0x56: {  	v6 =	vpop (erf)  }
0x57: {  	v6 =	vnsel vm0, $0x0, v6  }
0x58: {  	(xrf2) =	vadd.scan.msk.f32 $0xffff, v6;
	_ =	sdelay $0x9  }
0x59: {  	v61, _, _ =	vpop (xrf2)  }
0x5a: {  	v8 =	vbroadcast v61, $0xF;
	_ =	sdelay $0x1  }
0x5b: {  	(erf) = vrcp.f32 v8;
	_ =	sdelay $0x6  }
0x5c: {  	v62 =	vor.u32 s11, v5;
	_ =	sdelay $0x1  }
0x5d: {  	v63 =	vpop (erf)  }
0x5e: {  	v6 =	vmul.f32 v63, v6;
	_ =	sdelay $0x1  }
0x5f: {  	v7 =	vnsel vm0, $0x0, v7;
	[tilespmem:v62+s8+$0x0] =	vst.idx.msk $0xff, v6  }
0x60: {  	[tilespmem:v62+s9+$0x0] =	vst.idx.msk $0xff, v7  }
0x61: {  	[hbm4b:s4+s2] =	stream.linear.scatter [tilespmem:s8], [sflag:$0x1], $0x1000, $0x38;
	[tilespmem:$0xA000] =	vst v63  }
0x62: {  	s10 =	sadd.s32 $0x1, s10;
	_ =	swait.ge [sflag:s7], $0x1000  }
0x63: {  	p0 =	sne.s32 s10, s6;
	[sflag:s7] =	ssyncset.done $0x0  }
.Ltmp1:
0x64: {  	[sflag:s7] =	ssyncadd.s32 $0xFFFFF000;
	(pc) =	sbr.rel @p0 .LBB2_1-.Ltmp1, $4  }
0x65: {  	[hbm4b:s5+s2] =	stream.linear.scatter [tilespmem:s9], [sflag:$0x1], $0x1000, $0x38;
	[tilespmem:$0xA000] =	vst v63  }
0x66: {  	_ =	swait.ge [sflag:s7], $0x1000  }
0x67: {  	[sflag:s7] =	ssyncset.done $0x0  }
0x68: {  	[sflag:s7] =	ssyncadd.s32 $0xFFFFF000  }
0x69: {  	_ =	sfence.sel $0x180000  }
0x6a: {  	[bflag:$0x0] =	sbarrier.arrive $0xFFFF  }
0x6b: {  	p0 =	sne.s32 s1, $0x0;
	_ =	strace $0x90000047  }
0x6c: {  	s0 =	sadd.s32 @!p0 $0x100000, s0;
	[bflag:$0x2] =	sbarrier.arrive $0xFFFF  }
0x6d: {  	[sflag:s0] =	ssyncadd.tile.s32 @!p0 $0x1;
	_ =	shalt  }
.Lfunc_end2:
_tile_overlayer_lowered:
.L_overlay_start_2:
0x6e: {  	(tag) =	ssettag $0x2  }
0x6f: {  	s0 =	rddreg [dreg:$0x0];
	s2 =	stileid.u32  }
0x70: {  	s1 =	rddreg [dreg:$0x1];
	p0 =	sne.s32 s2, $0x0  }
0x71: {  	s3 =	rddreg [dreg:$0x2];
	[bflag:$0x3] =	sbarrier.arrive $0xFFFF;
	s2 =	simm.s32 @!p0 $0x1C01  }
0x72: {  	[timem:s3], [sflag:s2] =	dma.local @!p0 [hbm:s0], s1  }
0x73: {  	s0 =	simm.s32 @!p0 $0x1  }
0x74: {  	_ =	swait.ge @!p0 [sflag:s0], s1  }
0x75: {  	s1 =	ssub.s32 @!p0 $0x0, s1;
	[sflag:s0] =	ssyncset.done @!p0 $0x0  }
0x76: {  	[sflag:s0] =	ssyncadd.s32 @!p0 s1  }
0x77: {  	[bflag:$0x3] =	sbarrier.arrive $0xFFFF  }
0x78: {  	_ =	shalt  }

</sc_bundles>
